<compile_context>
chip_gen: v7x
topology: tpu7x:2x2x1
jax: 0.10.2.dev20260603
libtpu: 0.0.44.dev20260713+nightly
codegen_flags: <defaults>
</compile_context>

<pallas_src>
import functools

import jax
import jax.numpy as jnp
from jax import lax
from jax.experimental import pallas as pl
from jax.experimental.pallas import tpu as pltpu
from jax.experimental.pallas import tpu_sc as plsc

_GAMMA = 0.05
_D = 512
_C = 10
_B = 16384

_NC = 1
_NS = 16
_L = 16
_NW = _NC * _NS
_PER_W = _B // _NW


def _hist_body(t_hbm, out_hbm, t_v, acc_v):
  wid = lax.axis_index("s") * _NC + lax.axis_index("c")
  pltpu.sync_copy(t_hbm.at[pl.ds(wid * _PER_W, _PER_W)], t_v)

  zero = jnp.zeros((_L,), jnp.int32)
  one = jnp.ones((_L,), jnp.int32)

  def step(i, accs):
    t = t_v[pl.ds(i * _L, _L)]
    return tuple(a + jnp.where(t == c, one, zero) for c, a in enumerate(accs))

  accs = lax.fori_loop(0, _PER_W // _L, step, (zero,) * _C)
  for c in range(_C):
    acc_v[c, :] = accs[c].astype(jnp.float32)

  pltpu.sync_copy(acc_v, out_hbm.at[wid])


@functools.cache
def _hist():
  return functools.partial(
      pl.kernel,
      mesh=plsc.VectorSubcoreMesh(
          core_axis_name="c", subcore_axis_name="s",
          num_cores=_NC, num_subcores=_NS),
      out_type=jax.ShapeDtypeStruct((_NW, _C, _L), jnp.float32),
      scratch_types=[
          pltpu.VMEM((_PER_W,), jnp.int32),
          pltpu.VMEM((_C, _L), jnp.float32),
      ],
  )(_hist_body)


def _lse_body(w_ref, lse_ref):
  w = w_ref[...]
  g = lax.dot_general(w, w, (((0,), (0,)), ((), ())),
                      preferred_element_type=jnp.float32)
  ii = lax.broadcasted_iota(jnp.int32, (_C, _C), 0)
  jj = lax.broadcasted_iota(jnp.int32, (_C, _C), 1)
  e = jnp.where(ii == jj, 0.0, jnp.exp(g * _GAMMA))
  lse_ref[...] = jnp.log(jnp.sum(e, axis=0, keepdims=True)) * (1.0 / _GAMMA)


_lse = pl.pallas_call(
    _lse_body,
    out_shape=jax.ShapeDtypeStruct((1, _C), jnp.float32),
)


def _combine_body(lse_ref, p_ref, out_ref):
  lse = lse_ref[...]
  p = p_ref[...]
  counts = jnp.sum(jnp.sum(p, axis=2), axis=0, keepdims=True)
  out_ref[...] = jnp.sum(counts * lse, axis=1, keepdims=True) * (1.0 / _B)


_combine = pl.pallas_call(
    _combine_body,
    out_shape=jax.ShapeDtypeStruct((1, 1), jnp.float32),
)


@jax.jit
def kernel(weight, target):
  partials = _hist()(target)
  lse = _lse(weight)
  out = _combine(lse, partials)
  return out[0, 0]

# --- scband reference (transcript-rebuilt; emitter-appended) ---
"""Pipeline reference for scband-weight-constrain-loss-56238301774168 (READ-ONLY COPY).

The authoritative reference and input builder live on the scoring server;
editing this copy changes nothing except your own understanding.
"""

import jax, jax.numpy as jnp
import numpy as np

GAMMA = 0.05
FEAT_DIM = 512
NUM_CLASSES = 10
BATCH = 16384


def setup_inputs(seed: int = 0) -> dict:
    key = jax.random.key(seed)
    k1, k2 = jax.random.split(key)
    weight = jax.random.normal(k1, (FEAT_DIM, NUM_CLASSES), dtype=jnp.float32)
    target = jax.random.randint(k2, (BATCH,), 0, NUM_CLASSES, dtype=jnp.int32)
    return {"weight": weight, "target": target}


def reference(weight, target):
    gamma = GAMMA
    t = target.astype(jnp.int32)
    # true_class[b, d] = weight[d, target[b]]  (masked_select of the one-hot column)
    true_class = jnp.take(weight, t, axis=1).T  # [B, D]
    # false_class: the remaining NUM_CLASSES-1 columns, in increasing class order
    j = jnp.arange(NUM_CLASSES - 1)
    false_idx = jnp.where(j[None, :] < t[:, None], j[None, :], j[None, :] + 1)  # [B, 9]
    false_class = jnp.take(weight, false_idx, axis=1)  # [D, B, 9]
    false_class = jnp.transpose(false_class, (1, 0, 2))  # [B, D, 9]
    # cos_theta[b, j] = sum_d true_class[b, d] * false_class[b, d, j]
    cos_theta = jnp.einsum('bd,bdj->bj', true_class, false_class)  # [B, 9]
    cos_theta = cos_theta * gamma
    loss_exp = jnp.sum(jnp.exp(cos_theta), axis=1)  # [B]
    loss_log = jnp.log(loss_exp)
    loss = loss_log / gamma
    return jnp.mean(loss)

if __name__ == "__main__":
    import jax
    _d = setup_inputs()
    print(jax.jit(kernel)(*tuple(_d.values())))

</pallas_src>

<mosaic_0001>
#map = affine_map<(d0, d1) -> (0)>
#map1 = affine_map<(d0, d1) -> (0, 0, 0)>
module attributes {stable_mosaic.version = 14 : i64} {
  func.func @_hist_body(%arg0: i32, %arg1: i32, %arg2: memref<16384xi32, #tpu.memory_space<hbm>>, %arg3: memref<16x10x16xf32, #tpu.memory_space<hbm>>, %arg4: memref<1024xi32, #tpu.memory_space<vmem>>, %arg5: memref<10x16xf32, #tpu.memory_space<vmem>>) attributes {dimension_semantics = [#tpu.dimension_semantics<core_parallel>, #tpu.dimension_semantics<subcore_parallel>], iteration_bounds = array<i64: 1, 16>, scalar_prefetch = 0 : i64, scratch_operands = 2 : i64, tpu.core_type = #tpu.core_type<sc_vector_subcore>, window_params = [{transform_indices = #map}, {transform_indices = #map1}]} {
    %mul3A = arith.constant 1 : i32
    %mul3A_0 = arith.muli %arg1, %mul3A : i32
    %add3A = arith.addi %mul3A_0, %arg0 : i32
    %mul3A_1 = arith.constant 1024 : i32
    %mul3A_2 = arith.muli %add3A, %mul3A_1 : i32
    "tpu.region"() ({
      %run_scoped3A = tpu.sem_alloc : memref<!tpu.dma_semaphore, #tpu.memory_space<semaphore_mem>>
      %dma_start3A = tpu.memref_slice %arg2[%mul3A_2] : memref<16384xi32, #tpu.memory_space<hbm>> -> memref<1024xi32, #tpu.memory_space<hbm>>
      %dma_start3A_79 = tpu.memref_slice %arg2[%mul3A_2] : memref<16384xi32, #tpu.memory_space<hbm>> -> memref<1024xi32, #tpu.memory_space<hbm>>
      tpu.enqueue_dma source(%dma_start3A_79 : memref<1024xi32, #tpu.memory_space<hbm>>) target(%arg4 : memref<1024xi32, #tpu.memory_space<vmem>>) target_semaphore(%run_scoped3A : memref<!tpu.dma_semaphore, #tpu.memory_space<semaphore_mem>>)
      %dma_wait3A = tpu.memref_slice %arg2[%mul3A_2] : memref<16384xi32, #tpu.memory_space<hbm>> -> memref<1024xi32, #tpu.memory_space<hbm>>
      %dma_wait3A_80 = tpu.memref_slice %arg2[%mul3A_2] : memref<16384xi32, #tpu.memory_space<hbm>> -> memref<1024xi32, #tpu.memory_space<hbm>>
      tpu.wait_dma2 semaphore(%run_scoped3A : memref<!tpu.dma_semaphore, #tpu.memory_space<semaphore_mem>>) src(%dma_wait3A_80 : memref<1024xi32, #tpu.memory_space<hbm>>) dst(%arg4 : memref<1024xi32, #tpu.memory_space<vmem>>)
      tpu.yield
    }) : () -> ()
    %broadcast_in_dim3A = arith.constant 0 : i32
    %broadcast_in_dim3A_3 = vector.broadcast %broadcast_in_dim3A : i32 to vector<16xi32>
    %broadcast_in_dim3A_4 = arith.constant 1 : i32
    %broadcast_in_dim3A_5 = vector.broadcast %broadcast_in_dim3A_4 : i32 to vector<16xi32>
    %scan3A = arith.constant 0 : i32
    %scan3A_6 = arith.constant 64 : i32
    %scan3A_7 = arith.addi %scan3A, %scan3A_6 : i32
    %scan3A_8 = arith.constant 1 : i32
    %scan3A_9:10 = scf.for %scan3A_79 = %scan3A to %scan3A_7 step %scan3A_8 iter_args(%scan3A_80 = %broadcast_in_dim3A_3, %scan3A_81 = %broadcast_in_dim3A_3, %scan3A_82 = %broadcast_in_dim3A_3, %scan3A_83 = %broadcast_in_dim3A_3, %scan3A_84 = %broadcast_in_dim3A_3, %scan3A_85 = %broadcast_in_dim3A_3, %scan3A_86 = %broadcast_in_dim3A_3, %scan3A_87 = %broadcast_in_dim3A_3, %scan3A_88 = %broadcast_in_dim3A_3, %scan3A_89 = %broadcast_in_dim3A_3) -> (vector<16xi32>, vector<16xi32>, vector<16xi32>, vector<16xi32>, vector<16xi32>, vector<16xi32>, vector<16xi32>, vector<16xi32>, vector<16xi32>, vector<16xi32>)  : i32 {
      %mul3A_90 = arith.constant 16 : i32
      %mul3A_91 = arith.muli %scan3A_79, %mul3A_90 : i32
      %get3A = arith.index_cast %mul3A_91 : i32 to index
      %get3A_92 = tpu.vector_load %arg4[%get3A] {strides = array<i32>} : memref<1024xi32, #tpu.memory_space<vmem>>, vector<16xi32>,
      %get3A_93 = vector.shape_cast %get3A_92 : vector<16xi32> to vector<16xi32>
      %eq3A = arith.constant 0 : i32
      %eq3A_94 = vector.broadcast %eq3A : i32 to vector<16xi32>
      %eq3A_95 = arith.cmpi eq, %get3A_93, %eq3A_94 : vector<16xi32>
      %select_n3A = arith.select %eq3A_95, %broadcast_in_dim3A_5, %broadcast_in_dim3A_3 : vector<16xi1>, vector<16xi32>
      %add3A_96 = arith.addi %scan3A_80, %select_n3A : vector<16xi32>
      %eq3A_97 = arith.constant 1 : i32
      %eq3A_98 = vector.broadcast %eq3A_97 : i32 to vector<16xi32>
      %eq3A_99 = arith.cmpi eq, %get3A_93, %eq3A_98 : vector<16xi32>
      %select_n3A_100 = arith.select %eq3A_99, %broadcast_in_dim3A_5, %broadcast_in_dim3A_3 : vector<16xi1>, vector<16xi32>
      %add3A_101 = arith.addi %scan3A_81, %select_n3A_100 : vector<16xi32>
      %eq3A_102 = arith.constant 2 : i32
      %eq3A_103 = vector.broadcast %eq3A_102 : i32 to vector<16xi32>
      %eq3A_104 = arith.cmpi eq, %get3A_93, %eq3A_103 : vector<16xi32>
      %select_n3A_105 = arith.select %eq3A_104, %broadcast_in_dim3A_5, %broadcast_in_dim3A_3 : vector<16xi1>, vector<16xi32>
      %add3A_106 = arith.addi %scan3A_82, %select_n3A_105 : vector<16xi32>
      %eq3A_107 = arith.constant 3 : i32
      %eq3A_108 = vector.broadcast %eq3A_107 : i32 to vector<16xi32>
      %eq3A_109 = arith.cmpi eq, %get3A_93, %eq3A_108 : vector<16xi32>
      %select_n3A_110 = arith.select %eq3A_109, %broadcast_in_dim3A_5, %broadcast_in_dim3A_3 : vector<16xi1>, vector<16xi32>
      %add3A_111 = arith.addi %scan3A_83, %select_n3A_110 : vector<16xi32>
      %eq3A_112 = arith.constant 4 : i32
      %eq3A_113 = vector.broadcast %eq3A_112 : i32 to vector<16xi32>
      %eq3A_114 = arith.cmpi eq, %get3A_93, %eq3A_113 : vector<16xi32>
      %select_n3A_115 = arith.select %eq3A_114, %broadcast_in_dim3A_5, %broadcast_in_dim3A_3 : vector<16xi1>, vector<16xi32>
      %add3A_116 = arith.addi %scan3A_84, %select_n3A_115 : vector<16xi32>
      %eq3A_117 = arith.constant 5 : i32
      %eq3A_118 = vector.broadcast %eq3A_117 : i32 to vector<16xi32>
      %eq3A_119 = arith.cmpi eq, %get3A_93, %eq3A_118 : vector<16xi32>
      %select_n3A_120 = arith.select %eq3A_119, %broadcast_in_dim3A_5, %broadcast_in_dim3A_3 : vector<16xi1>, vector<16xi32>
      %add3A_121 = arith.addi %scan3A_85, %select_n3A_120 : vector<16xi32>
      %eq3A_122 = arith.constant 6 : i32
      %eq3A_123 = vector.broadcast %eq3A_122 : i32 to vector<16xi32>
      %eq3A_124 = arith.cmpi eq, %get3A_93, %eq3A_123 : vector<16xi32>
      %select_n3A_125 = arith.select %eq3A_124, %broadcast_in_dim3A_5, %broadcast_in_dim3A_3 : vector<16xi1>, vector<16xi32>
      %add3A_126 = arith.addi %scan3A_86, %select_n3A_125 : vector<16xi32>
      %eq3A_127 = arith.constant 7 : i32
      %eq3A_128 = vector.broadcast %eq3A_127 : i32 to vector<16xi32>
      %eq3A_129 = arith.cmpi eq, %get3A_93, %eq3A_128 : vector<16xi32>
      %select_n3A_130 = arith.select %eq3A_129, %broadcast_in_dim3A_5, %broadcast_in_dim3A_3 : vector<16xi1>, vector<16xi32>
      %add3A_131 = arith.addi %scan3A_87, %select_n3A_130 : vector<16xi32>
      %eq3A_132 = arith.constant 8 : i32
      %eq3A_133 = vector.broadcast %eq3A_132 : i32 to vector<16xi32>
      %eq3A_134 = arith.cmpi eq, %get3A_93, %eq3A_133 : vector<16xi32>
      %select_n3A_135 = arith.select %eq3A_134, %broadcast_in_dim3A_5, %broadcast_in_dim3A_3 : vector<16xi1>, vector<16xi32>
      %add3A_136 = arith.addi %scan3A_88, %select_n3A_135 : vector<16xi32>
      %eq3A_137 = arith.constant 9 : i32
      %eq3A_138 = vector.broadcast %eq3A_137 : i32 to vector<16xi32>
      %eq3A_139 = arith.cmpi eq, %get3A_93, %eq3A_138 : vector<16xi32>
      %select_n3A_140 = arith.select %eq3A_139, %broadcast_in_dim3A_5, %broadcast_in_dim3A_3 : vector<16xi1>, vector<16xi32>
      %add3A_141 = arith.addi %scan3A_89, %select_n3A_140 : vector<16xi32>
      scf.yield %add3A_96, %add3A_101, %add3A_106, %add3A_111, %add3A_116, %add3A_121, %add3A_126, %add3A_131, %add3A_136, %add3A_141 : vector<16xi32>, vector<16xi32>, vector<16xi32>, vector<16xi32>, vector<16xi32>, vector<16xi32>, vector<16xi32>, vector<16xi32>, vector<16xi32>, vector<16xi32>
    }
    %scan3A_10 = arith.constant 64 : i32
    %convert_element_type3A = arith.sitofp %scan3A_9#0 : vector<16xi32> to vector<16xf32>
    %swap3A = arith.constant 0 : i32
    %swap3A_11 = arith.index_cast %swap3A : i32 to index
    %swap3A_12 = arith.constant 0 : index
    %swap3A_13 = tpu.vector_load %arg5[%swap3A_11, %swap3A_12] {strides = array<i32>} : memref<10x16xf32, #tpu.memory_space<vmem>>, vector<1x16xf32>,
    %swap3A_14 = vector.shape_cast %swap3A_13 : vector<1x16xf32> to vector<16xf32>
    %swap3A_15 = vector.shape_cast %convert_element_type3A : vector<16xf32> to vector<1x16xf32>
    tpu.vector_store %arg5[%swap3A_11, %swap3A_12], %swap3A_15 {strides = array<i32>} : memref<10x16xf32, #tpu.memory_space<vmem>>, vector<1x16xf32>,
    %convert_element_type3A_16 = arith.sitofp %scan3A_9#1 : vector<16xi32> to vector<16xf32>
    %swap3A_17 = arith.constant 1 : i32
    %swap3A_18 = arith.index_cast %swap3A_17 : i32 to index
    %swap3A_19 = arith.constant 0 : index
    %swap3A_20 = tpu.vector_load %arg5[%swap3A_18, %swap3A_19] {strides = array<i32>} : memref<10x16xf32, #tpu.memory_space<vmem>>, vector<1x16xf32>,
    %swap3A_21 = vector.shape_cast %swap3A_20 : vector<1x16xf32> to vector<16xf32>
    %swap3A_22 = vector.shape_cast %convert_element_type3A_16 : vector<16xf32> to vector<1x16xf32>
    tpu.vector_store %arg5[%swap3A_18, %swap3A_19], %swap3A_22 {strides = array<i32>} : memref<10x16xf32, #tpu.memory_space<vmem>>, vector<1x16xf32>,
    %convert_element_type3A_23 = arith.sitofp %scan3A_9#2 : vector<16xi32> to vector<16xf32>
    %swap3A_24 = arith.constant 2 : i32
    %swap3A_25 = arith.index_cast %swap3A_24 : i32 to index
    %swap3A_26 = arith.constant 0 : index
    %swap3A_27 = tpu.vector_load %arg5[%swap3A_25, %swap3A_26] {strides = array<i32>} : memref<10x16xf32, #tpu.memory_space<vmem>>, vector<1x16xf32>,
    %swap3A_28 = vector.shape_cast %swap3A_27 : vector<1x16xf32> to vector<16xf32>
    %swap3A_29 = vector.shape_cast %convert_element_type3A_23 : vector<16xf32> to vector<1x16xf32>
    tpu.vector_store %arg5[%swap3A_25, %swap3A_26], %swap3A_29 {strides = array<i32>} : memref<10x16xf32, #tpu.memory_space<vmem>>, vector<1x16xf32>,
    %convert_element_type3A_30 = arith.sitofp %scan3A_9#3 : vector<16xi32> to vector<16xf32>
    %swap3A_31 = arith.constant 3 : i32
    %swap3A_32 = arith.index_cast %swap3A_31 : i32 to index
    %swap3A_33 = arith.constant 0 : index
    %swap3A_34 = tpu.vector_load %arg5[%swap3A_32, %swap3A_33] {strides = array<i32>} : memref<10x16xf32, #tpu.memory_space<vmem>>, vector<1x16xf32>,
    %swap3A_35 = vector.shape_cast %swap3A_34 : vector<1x16xf32> to vector<16xf32>
    %swap3A_36 = vector.shape_cast %convert_element_type3A_30 : vector<16xf32> to vector<1x16xf32>
    tpu.vector_store %arg5[%swap3A_32, %swap3A_33], %swap3A_36 {strides = array<i32>} : memref<10x16xf32, #tpu.memory_space<vmem>>, vector<1x16xf32>,
    %convert_element_type3A_37 = arith.sitofp %scan3A_9#4 : vector<16xi32> to vector<16xf32>
    %swap3A_38 = arith.constant 4 : i32
    %swap3A_39 = arith.index_cast %swap3A_38 : i32 to index
    %swap3A_40 = arith.constant 0 : index
    %swap3A_41 = tpu.vector_load %arg5[%swap3A_39, %swap3A_40] {strides = array<i32>} : memref<10x16xf32, #tpu.memory_space<vmem>>, vector<1x16xf32>,
    %swap3A_42 = vector.shape_cast %swap3A_41 : vector<1x16xf32> to vector<16xf32>
    %swap3A_43 = vector.shape_cast %convert_element_type3A_37 : vector<16xf32> to vector<1x16xf32>
    tpu.vector_store %arg5[%swap3A_39, %swap3A_40], %swap3A_43 {strides = array<i32>} : memref<10x16xf32, #tpu.memory_space<vmem>>, vector<1x16xf32>,
    %convert_element_type3A_44 = arith.sitofp %scan3A_9#5 : vector<16xi32> to vector<16xf32>
    %swap3A_45 = arith.constant 5 : i32
    %swap3A_46 = arith.index_cast %swap3A_45 : i32 to index
    %swap3A_47 = arith.constant 0 : index
    %swap3A_48 = tpu.vector_load %arg5[%swap3A_46, %swap3A_47] {strides = array<i32>} : memref<10x16xf32, #tpu.memory_space<vmem>>, vector<1x16xf32>,
    %swap3A_49 = vector.shape_cast %swap3A_48 : vector<1x16xf32> to vector<16xf32>
    %swap3A_50 = vector.shape_cast %convert_element_type3A_44 : vector<16xf32> to vector<1x16xf32>
    tpu.vector_store %arg5[%swap3A_46, %swap3A_47], %swap3A_50 {strides = array<i32>} : memref<10x16xf32, #tpu.memory_space<vmem>>, vector<1x16xf32>,
    %convert_element_type3A_51 = arith.sitofp %scan3A_9#6 : vector<16xi32> to vector<16xf32>
    %swap3A_52 = arith.constant 6 : i32
    %swap3A_53 = arith.index_cast %swap3A_52 : i32 to index
    %swap3A_54 = arith.constant 0 : index
    %swap3A_55 = tpu.vector_load %arg5[%swap3A_53, %swap3A_54] {strides = array<i32>} : memref<10x16xf32, #tpu.memory_space<vmem>>, vector<1x16xf32>,
    %swap3A_56 = vector.shape_cast %swap3A_55 : vector<1x16xf32> to vector<16xf32>
    %swap3A_57 = vector.shape_cast %convert_element_type3A_51 : vector<16xf32> to vector<1x16xf32>
    tpu.vector_store %arg5[%swap3A_53, %swap3A_54], %swap3A_57 {strides = array<i32>} : memref<10x16xf32, #tpu.memory_space<vmem>>, vector<1x16xf32>,
    %convert_element_type3A_58 = arith.sitofp %scan3A_9#7 : vector<16xi32> to vector<16xf32>
    %swap3A_59 = arith.constant 7 : i32
    %swap3A_60 = arith.index_cast %swap3A_59 : i32 to index
    %swap3A_61 = arith.constant 0 : index
    %swap3A_62 = tpu.vector_load %arg5[%swap3A_60, %swap3A_61] {strides = array<i32>} : memref<10x16xf32, #tpu.memory_space<vmem>>, vector<1x16xf32>,
    %swap3A_63 = vector.shape_cast %swap3A_62 : vector<1x16xf32> to vector<16xf32>
    %swap3A_64 = vector.shape_cast %convert_element_type3A_58 : vector<16xf32> to vector<1x16xf32>
    tpu.vector_store %arg5[%swap3A_60, %swap3A_61], %swap3A_64 {strides = array<i32>} : memref<10x16xf32, #tpu.memory_space<vmem>>, vector<1x16xf32>,
    %convert_element_type3A_65 = arith.sitofp %scan3A_9#8 : vector<16xi32> to vector<16xf32>
    %swap3A_66 = arith.constant 8 : i32
    %swap3A_67 = arith.index_cast %swap3A_66 : i32 to index
    %swap3A_68 = arith.constant 0 : index
    %swap3A_69 = tpu.vector_load %arg5[%swap3A_67, %swap3A_68] {strides = array<i32>} : memref<10x16xf32, #tpu.memory_space<vmem>>, vector<1x16xf32>,
    %swap3A_70 = vector.shape_cast %swap3A_69 : vector<1x16xf32> to vector<16xf32>
    %swap3A_71 = vector.shape_cast %convert_element_type3A_65 : vector<16xf32> to vector<1x16xf32>
    tpu.vector_store %arg5[%swap3A_67, %swap3A_68], %swap3A_71 {strides = array<i32>} : memref<10x16xf32, #tpu.memory_space<vmem>>, vector<1x16xf32>,
    %convert_element_type3A_72 = arith.sitofp %scan3A_9#9 : vector<16xi32> to vector<16xf32>
    %swap3A_73 = arith.constant 9 : i32
    %swap3A_74 = arith.index_cast %swap3A_73 : i32 to index
    %swap3A_75 = arith.constant 0 : index
    %swap3A_76 = tpu.vector_load %arg5[%swap3A_74, %swap3A_75] {strides = array<i32>} : memref<10x16xf32, #tpu.memory_space<vmem>>, vector<1x16xf32>,
    %swap3A_77 = vector.shape_cast %swap3A_76 : vector<1x16xf32> to vector<16xf32>
    %swap3A_78 = vector.shape_cast %convert_element_type3A_72 : vector<16xf32> to vector<1x16xf32>
    tpu.vector_store %arg5[%swap3A_74, %swap3A_75], %swap3A_78 {strides = array<i32>} : memref<10x16xf32, #tpu.memory_space<vmem>>, vector<1x16xf32>,
    "tpu.region"() ({
      %run_scoped3A = tpu.sem_alloc : memref<!tpu.dma_semaphore, #tpu.memory_space<semaphore_mem>>
      %dma_start3A = arith.constant 0 : i32
      %dma_start3A_79 = arith.constant 0 : i32
      %dma_start3A_80 = tpu.memref_slice %arg3[%add3A, %dma_start3A, %dma_start3A_79] : memref<16x10x16xf32, #tpu.memory_space<hbm>> -> memref<1x10x16xf32, #tpu.memory_space<hbm>>
      %dma_start3A_81 = tpu.memref_squeeze %dma_start3A_80 : memref<1x10x16xf32, #tpu.memory_space<hbm>> -> memref<10x16xf32, #tpu.memory_space<hbm>>
      %dma_start3A_82 = arith.constant 0 : i32
      %dma_start3A_83 = arith.constant 0 : i32
      %dma_start3A_84 = tpu.memref_slice %arg3[%add3A, %dma_start3A_82, %dma_start3A_83] : memref<16x10x16xf32, #tpu.memory_space<hbm>> -> memref<1x10x16xf32, #tpu.memory_space<hbm>>
      %dma_start3A_85 = tpu.memref_squeeze %dma_start3A_84 : memref<1x10x16xf32, #tpu.memory_space<hbm>> -> memref<10x16xf32, #tpu.memory_space<hbm>>
      tpu.enqueue_dma source(%arg5 : memref<10x16xf32, #tpu.memory_space<vmem>>) target(%dma_start3A_85 : memref<10x16xf32, #tpu.memory_space<hbm>>) target_semaphore(%run_scoped3A : memref<!tpu.dma_semaphore, #tpu.memory_space<semaphore_mem>>)
      %dma_wait3A = arith.constant 0 : i32
      %dma_wait3A_86 = arith.constant 0 : i32
      %dma_wait3A_87 = tpu.memref_slice %arg3[%add3A, %dma_wait3A, %dma_wait3A_86] : memref<16x10x16xf32, #tpu.memory_space<hbm>> -> memref<1x10x16xf32, #tpu.memory_space<hbm>>
      %dma_wait3A_88 = tpu.memref_squeeze %dma_wait3A_87 : memref<1x10x16xf32, #tpu.memory_space<hbm>> -> memref<10x16xf32, #tpu.memory_space<hbm>>
      %dma_wait3A_89 = arith.constant 0 : i32
      %dma_wait3A_90 = arith.constant 0 : i32
      %dma_wait3A_91 = tpu.memref_slice %arg3[%add3A, %dma_wait3A_89, %dma_wait3A_90] : memref<16x10x16xf32, #tpu.memory_space<hbm>> -> memref<1x10x16xf32, #tpu.memory_space<hbm>>
      %dma_wait3A_92 = tpu.memref_squeeze %dma_wait3A_91 : memref<1x10x16xf32, #tpu.memory_space<hbm>> -> memref<10x16xf32, #tpu.memory_space<hbm>>
      tpu.wait_dma2 semaphore(%run_scoped3A : memref<!tpu.dma_semaphore, #tpu.memory_space<semaphore_mem>>) src(%arg5 : memref<10x16xf32, #tpu.memory_space<vmem>>) dst(%dma_wait3A_92 : memref<10x16xf32, #tpu.memory_space<hbm>>)
      tpu.yield
    }) : () -> ()
    return
  }
}

module attributes {stable_mosaic.version = 14 : i64} {
  func.func @_combine_body(%arg0: memref<1x10xf32, #tpu.memory_space<vmem>>, %arg1: memref<16x10x16xf32, #tpu.memory_space<vmem>>, %arg2: memref<1x1xf32, #tpu.memory_space<vmem>>) attributes {dimension_semantics = [], scalar_prefetch = 0 : i64, scratch_operands = 0 : i64, tpu.core_type = #tpu.core_type<tc>} {
    %get3A = arith.constant 0 : index
    %get3A_0 = arith.constant 0 : index
    %get3A_1 = vector.load %arg0[%get3A, %get3A_0] : memref<1x10xf32, #tpu.memory_space<vmem>>, vector<1x10xf32>
    %get3A_2 = arith.constant 0 : index
    %get3A_3 = arith.constant 0 : index
    %get3A_4 = arith.constant 0 : index
    %get3A_5 = vector.load %arg1[%get3A_2, %get3A_3, %get3A_4] : memref<16x10x16xf32, #tpu.memory_space<vmem>>, vector<16x10x16xf32>
    %reduce_sum3A = arith.constant dense<0.000000e+00> : vector<16x10xf32>
    %reduce_sum3A_6 = vector.multi_reduction <add>, %get3A_5, %reduce_sum3A [2] : vector<16x10x16xf32> to vector<16x10xf32>
    %reduce_sum3A_7 = arith.constant dense<0.000000e+00> : vector<10xf32>
    %reduce_sum3A_8 = vector.multi_reduction <add>, %reduce_sum3A_6, %reduce_sum3A_7 [0] : vector<16x10xf32> to vector<10xf32>
    %broadcast_in_dim3A = vector.shape_cast %reduce_sum3A_8 : vector<10xf32> to vector<1x10xf32>
    %mul3A = arith.mulf %broadcast_in_dim3A, %get3A_1 : vector<1x10xf32>
    %reduce_sum3A_9 = arith.constant dense<0.000000e+00> : vector<1xf32>
    %reduce_sum3A_10 = vector.multi_reduction <add>, %mul3A, %reduce_sum3A_9 [1] : vector<1x10xf32> to vector<1xf32>
    %broadcast_in_dim3A_11 = vector.shape_cast %reduce_sum3A_10 : vector<1xf32> to vector<1x1xf32>
    %mul3A_12 = arith.constant 6.10351563E-5 : f32
    %mul3A_13 = vector.broadcast %mul3A_12 : f32 to vector<1x1xf32>
    %mul3A_14 = arith.mulf %broadcast_in_dim3A_11, %mul3A_13 : vector<1x1xf32>
    %swap3A = arith.constant 0 : index
    %swap3A_15 = arith.constant 0 : index
    %swap3A_16 = vector.load %arg2[%swap3A, %swap3A_15] : memref<1x1xf32, #tpu.memory_space<vmem>>, vector<1x1xf32>
    tpu.vector_store %arg2[%swap3A, %swap3A_15], %mul3A_14 {strides = array<i32>} : memref<1x1xf32, #tpu.memory_space<vmem>>, vector<1x1xf32>,
    return
  }
}

module attributes {stable_mosaic.version = 14 : i64} {
  func.func @_lse_body(%arg0: memref<512x10xf32, #tpu.memory_space<vmem>>, %arg1: memref<1x10xf32, #tpu.memory_space<vmem>>) attributes {dimension_semantics = [], scalar_prefetch = 0 : i64, scratch_operands = 0 : i64, tpu.core_type = #tpu.core_type<tc>} {
    %get3A = arith.constant 0 : index
    %get3A_0 = arith.constant 0 : index
    %get3A_1 = vector.load %arg0[%get3A, %get3A_0] : memref<512x10xf32, #tpu.memory_space<vmem>>, vector<512x10xf32>
    %dot_general3A = arith.constant dense<0.000000e+00> : vector<10x10xf32>
    %dot_general3A_2 = tpu.matmul %get3A_1, %get3A_1, %dot_general3A {dimension_numbers = #tpu.dot_dimension_numbers<[0], [0], [1], [1], [0, 1, 1, 1], [], []>, transpose_lhs_hint = false} : vector<512x10xf32>, vector<512x10xf32>, vector<10x10xf32> -> vector<10x10xf32>
    %iota3A = tpu.iota {dimensions = array<i32: 0>} : vector<10x10xi32>
    %iota3A_3 = tpu.iota {dimensions = array<i32: 1>} : vector<10x10xi32>
    %eq3A = arith.cmpi eq, %iota3A, %iota3A_3 : vector<10x10xi32>
    %mul3A = arith.constant 5.000000e-02 : f32
    %mul3A_4 = vector.broadcast %mul3A : f32 to vector<10x10xf32>
    %mul3A_5 = arith.mulf %dot_general3A_2, %mul3A_4 : vector<10x10xf32>
    %exp3A = math.exp %mul3A_5 : vector<10x10xf32>
    %jit3A = arith.constant 0.000000e+00 : f32
    %broadcast_in_dim3A = vector.broadcast %jit3A : f32 to vector<10x10xf32>
    %select_n3A = arith.select %eq3A, %broadcast_in_dim3A, %exp3A : vector<10x10xi1>, vector<10x10xf32>
    %reduce_sum3A = arith.constant dense<0.000000e+00> : vector<10xf32>
    %reduce_sum3A_6 = vector.multi_reduction <add>, %select_n3A, %reduce_sum3A [0] : vector<10x10xf32> to vector<10xf32>
    %broadcast_in_dim3A_7 = vector.shape_cast %reduce_sum3A_6 : vector<10xf32> to vector<1x10xf32>
    %log3A = math.log %broadcast_in_dim3A_7 : vector<1x10xf32>
    %mul3A_8 = arith.constant 2.000000e+01 : f32
    %mul3A_9 = vector.broadcast %mul3A_8 : f32 to vector<1x10xf32>
    %mul3A_10 = arith.mulf %log3A, %mul3A_9 : vector<1x10xf32>
    %swap3A = arith.constant 0 : index
    %swap3A_11 = arith.constant 0 : index
    %swap3A_12 = vector.load %arg1[%swap3A, %swap3A_11] : memref<1x10xf32, #tpu.memory_space<vmem>>, vector<1x10xf32>
    tpu.vector_store %arg1[%swap3A, %swap3A_11], %mul3A_10 {strides = array<i32>} : memref<1x10xf32, #tpu.memory_space<vmem>>, vector<1x10xf32>,
    return
  }
}

</mosaic_0001>

<sc_bundles>
// kernel: kernel.5.cloned.1.call-start
scs
__scs_entry_jumppad:
0x0: {  	(pc) =	sbr.rel $0x88, $3  }
0x1: {  	(tag) =	ssettag $0x0;
	lr =	simm.s32 $0x1  }
0x2: {  	[smem:$0x3F9F] =	sst lr;
	_ =	strace $0xD0000000  }
0x3: {  	_ = 	snop  }
0x4: {  	_ = 	snop  }
0x5: {  	_ = 	snop  }
0x6: {  	_ = 	snop  }
0x7: {  	_ = 	snop  }
__scs_overlays_trampoline_lowered:
0x8: {  	[smem:$0x3FAE] =	sst s0  }
0x9: {  	[smem:$0x3FAF] =	sst s1  }
0xa: {  	[smem:$0x3FB0] =	sst s2  }
0xb: {  	[smem:$0x3FB1] =	sst s3  }
0xc: {  	[smem:$0x3FB2] =	sst s4  }
0xd: {  	[smem:$0x3FB3] =	sst s5  }
0xe: {  	[smem:$0x3FB4] =	sst s6  }
0xf: {  	[smem:$0x3FB5] =	sst s7  }
0x10: {  	[smem:$0x3FB6] =	sst s8  }
0x11: {  	[smem:$0x3FB7] =	sst s9;
	s0 =	simm.s32 @!p0 $0x0  }
0x12: {  	s1 =	sld [smem:$0x3F9D];
	s0 =	simm.s32 @p0 $0x1  }
0x13: {  	[smem:$0x3FB8] =	sst s0;
	s0 =	simm.s32 @!p1 $0x0  }
0x14: {  	s2 =	sld [smem:$0x3F9C];
	s0 =	simm.s32 @p1 $0x1  }
0x15: {  	[smem:$0x3FB9] =	sst s0;
	s0 =	simm.s32 @!p2 $0x0  }
0x16: {  	s3 =	sld [smem:$0x3FDB];
	s0 =	simm.s32 @p2 $0x1  }
0x17: {  	s4 =	simm.s32 $0x1BF5;
	[smem:$0x3FBB] =	sst s0  }
0x18: {  	s0 =	sld [smem:$0x3F9E];
	_ =	swait.ge [sflag:s4], $0x0  }
0x19: {  	s7 =	sld [smem:$0x3F9F]  }
0x1a: {  	s8 =	sadd.s32 $0xFFFFE003, lr  }
0x1b: {  	s9 =	sadd.s32 $0xFFFFFEF7, lr;
	s5 =	simm.s32 $0xFFFFFFFF;
	p2 =	slt.u32 s8, $0xFFFFF086  }
0x1c: {  	p1 =	slt.u32 s9, $0xF7A;
	s5 =	simm.s32 @!p2 $0x0  }
0x1d: {  	s5 =	simm.s32 @p1 $0x1;
	p0 =	seq.s32 s7, s2  }
0x1e: {  	s7 =	smul.u32 @!p0 $0xF7A, s2;
	p2 =	seq.s32 @!p0 s5, $0x0  }
0x1f: {  	s9 =	smul.u32 $0xF7A, s1;
	s8 =	simm.s32 @!p0 $0x1BF5;
	p2 =	por !p2, p0  }
0x20: {  	[sflag:s8] =	ssyncset.s32 @!p0 $0xFFFFF086;
	s6 =	sadd.s32 @!p0 s3, s7;
	s7 =	simm.s32 @!p0 $0x108  }
0x21: {  	s3 =	sadd.s32 s3, s9;
	s6 =	sadd.s32 @!p0 $0x88, s6;
	s7 =	simm.s32 @p2 $0x1082  }
0x22: {  	[simem:s7], [sflag:s8] =	dma.local @!p0 [hbm:s6], $0xF7A  }
0x23: {  	s9 =	sor.u32 $0xD0000000, s2;
	s6 =	simm.s32 $0x108;
	_ =	swait.ge @!p0 [sflag:s8], $0x0  }
0x24: {  	s3 =	sadd.s32 $0x88, s3;
	s6 =	simm.s32 @!p1 $0x1082;
	[sflag:s4] =	ssyncset.s32 $0xFFFFF086  }
0x25: {  	[simem:s6], [sflag:s4] =	dma.local [hbm:s3], $0xF7A  }
0x26: {  	[smem:$0x3F9F] =	sst s1;
	(tag) =	ssettag s2;
	_ =	strace s9  }
0x27: {  	s1 =	sld [smem:$0x3FAF]  }
0x28: {  	s2 =	sld [smem:$0x3FB0]  }
0x29: {  	s4 =	sld [smem:$0x3FB2]  }
0x2a: {  	p0 =	seq.s32 s5, $0x0;
	s5 =	sld [smem:$0x3FB3]  }
0x2b: {  	s6 =	sld [smem:$0x3FB4]  }
0x2c: {  	s7 =	sld [smem:$0x3FB5]  }
0x2d: {  	s3 =	simm.s32 $0x108;
	s8 =	sld [smem:$0x3FB6]  }
0x2e: {  	s3 =	simm.s32 @!p0 $0x1082;
	s9 =	sld [smem:$0x3FB7]  }
0x2f: {  	lr =	sadd.s32 s0, s3;
	s0 =	sld [smem:$0x3FAE]  }
0x30: {  	s3 =	sld [smem:$0x3FB1]  }
0x31: {  	[smem:$0x3FBA] =	sst s10  }
0x32: {  	s10 =	sld [smem:$0x3FB8];
	_ =	sdelay $0x3  }
0x33: {  	p0 =	seq.s32 s10, $0x1;
	s10 =	sld [smem:$0x3FBA];
	_ =	sdelay $0x3  }
0x34: {  	[smem:$0x3FBA] =	sst s10  }
0x35: {  	s10 =	sld [smem:$0x3FB9];
	_ =	sdelay $0x3  }
0x36: {  	p1 =	seq.s32 s10, $0x1;
	s10 =	sld [smem:$0x3FBA];
	_ =	sdelay $0x3  }
0x37: {  	[smem:$0x3FBA] =	sst s10  }
0x38: {  	s10 =	sld [smem:$0x3FBB]  }
0x39: {  	_ = 	snop;
	(pc) =	sbr.ind lr, $3  }
0x3a: {  	_ = 	snop  }
0x3b: {  	_ = 	snop  }
0x3c: {  	p2 =	seq.s32 s10, $0x1;
	s10 =	sld [smem:$0x3FBA]  }
0x3d: {  	_ =	shalt  }
0x3e: {  	_ =	shalt  }
0x3f: {  	_ =	shalt  }
0x40: {  	_ =	shalt  }
0x41: {  	_ =	shalt  }
0x42: {  	_ =	shalt  }
0x43: {  	_ =	shalt  }
0x44: {  	_ =	shalt  }
0x45: {  	_ =	shalt  }
0x46: {  	_ =	shalt  }
0x47: {  	_ =	shalt  }
0x48: {  	_ =	shalt  }
0x49: {  	_ =	shalt  }
0x4a: {  	_ =	shalt  }
0x4b: {  	_ =	shalt  }
0x4c: {  	_ =	shalt  }
0x4d: {  	_ =	shalt  }
0x4e: {  	_ =	shalt  }
0x4f: {  	_ =	shalt  }
0x50: {  	_ =	shalt  }
0x51: {  	_ =	shalt  }
0x52: {  	_ =	shalt  }
0x53: {  	_ =	shalt  }
0x54: {  	_ =	shalt  }
0x55: {  	_ =	shalt  }
0x56: {  	_ =	shalt  }
0x57: {  	_ =	shalt  }
0x58: {  	_ =	shalt  }
0x59: {  	_ =	shalt  }
0x5a: {  	_ =	shalt  }
0x5b: {  	_ =	shalt  }
0x5c: {  	_ =	shalt  }
0x5d: {  	_ =	shalt  }
0x5e: {  	_ =	shalt  }
0x5f: {  	_ =	shalt  }
0x60: {  	_ =	shalt  }
0x61: {  	_ =	shalt  }
0x62: {  	_ =	shalt  }
0x63: {  	_ =	shalt  }
0x64: {  	_ =	shalt  }
0x65: {  	_ =	shalt  }
0x66: {  	_ =	shalt  }
0x67: {  	_ =	shalt  }
0x68: {  	_ =	shalt  }
0x69: {  	_ =	shalt  }
0x6a: {  	_ =	shalt  }
0x6b: {  	_ =	shalt  }
0x6c: {  	_ =	shalt  }
0x6d: {  	_ =	shalt  }
0x6e: {  	_ =	shalt  }
0x6f: {  	_ =	shalt  }
0x70: {  	_ =	shalt  }
0x71: {  	_ =	shalt  }
0x72: {  	_ =	shalt  }
0x73: {  	_ =	shalt  }
0x74: {  	_ =	shalt  }
0x75: {  	_ =	shalt  }
0x76: {  	_ =	shalt  }
0x77: {  	_ =	shalt  }
0x78: {  	_ =	shalt  }
0x79: {  	_ =	shalt  }
0x7a: {  	_ =	shalt  }
0x7b: {  	_ =	shalt  }
0x7c: {  	_ =	shalt  }
0x7d: {  	_ =	shalt  }
0x7e: {  	_ =	shalt  }
0x7f: {  	_ =	shalt  }
0x80: {  	_ =	shalt  }
0x81: {  	_ =	shalt  }
0x82: {  	_ =	shalt  }
0x83: {  	_ =	shalt  }
0x84: {  	_ =	shalt  }
0x85: {  	_ =	shalt  }
0x86: {  	_ =	shalt  }
0x87: {  	_ =	shalt  }
.Lfunc_end0:
.L_simem_size_0:
called_computation_lowered:
.L_overlay_start_0:
0x88: {  	s0 =	sld [smem:$0x3FD9]  }
0x89: {  	s1 =	sld [smem:$0x3FFE];
	_ =	sdelay $0x3  }
0x8a: {  	s0 =	sadd.s32 s1, s0  }
0x8b: {  	[smem:$0x3FC6] =	sst s0  }
0x8c: {  	_ = 	snop  }
0x8d: {  	s0 =	sld [smem:$0x3FC8];
	(tm) =	ssettm $0x1  }
0x8e: {  	s16 =	sld [smem:$0x3FFB];
	_ =	sdelay $0x3  }
0x8f: {  	_ =	strace s16  }
0x90: {  	s1 =	sld [smem:$0x3FFC];
	_ =	sdelay $0x3  }
0x91: {  	_ =	strace s1  }
0x92: {  	s1 =	sld [smem:$0x3FFD];
	_ =	sdelay $0x3  }
0x93: {  	_ =	strace s1  }
0x94: {  	_ =	strace $0x8FFFFFFF  }
0x95: {  	s17 =	sld [smem:$0x3FDB];
	_ =	sdelay $0x1  }
0x96: {  	s2 =	simm.s32 $_scs_section_size  }
0x97: {  	s3 =	simm.s32 $_size__tile_overlayer_lowered;
	s4 =	simm.s32 $_tile_overlayer_lowered  }
0x98: {  	s20 =	simm.s32 $0x1BFF;
	s19 =	sshll.u32 s4, $0x1;
	s1 =	sadd.s32 s2, s17  }
0x99: {  	s5 =	simm.s32 $0x0;
	s18 =	sshll.u32 s3, $0x1;
	s3 =	sadd.s32 s19, s1  }
0x9a: {  	[timem:s5], [sflag:s20] =	dma.local [hbm:s3], s18  }
0x9b: {  	_ =	swait.ge [sflag:s20], s18  }
0x9c: {  	s2 =	ssub.s32 $0x0, s18;
	[sflag:s20] =	ssyncset.done $0x0  }
0x9d: {  	[sflag:s20] =	ssyncadd.s32 s2;
	_ =	sdelay $0x1  }
0x9e: {  	s21 =	simm.s32 $0x1B8B  }
0x9f: {  	_ =	swait.ge [sflag:s21], $0x1  }
0xa0: {  	[sflag:s21] =	ssyncset.done $0x0  }
0xa1: {  	s23 =	simm.s32 $0x1B8E;
	s22 =	sld [smem:$0x3FFE];
	[sflag:s21] =	ssyncadd.s32 $0xFFFFFFFF  }
0xa2: {  	s24 =	simm.s32 $execute0_lowered;
	[smem:$0x3FD2] =	sst s23  }
0xa3: {  	s3 =	sshll.u32 s24, $0x1;
	_ =	strace $0x80000046;
	[dreg:$0x1] =	wrdreg $0xFFFFFFFF  }
0xa4: {  	s25 =	simm.s32 $_size_execute0_lowered;
	s1 =	sadd.s32 s1, s3;
	[dreg:$0x0] =	wrdreg $0x0  }
0xa5: {  	s3 =	sshll.u32 s25, $0x1;
	[dreg:$0x2] =	wrdreg s1  }
0xa6: {  	[dreg:$0x3] =	wrdreg s3  }
0xa7: {  	[dreg:$0x4] =	wrdreg $0xC0  }
0xa8: {  	_ =	task [dreg:s5], $0x5FFFF  }
0xa9: {  	[dreg:$0x1] =	wrdreg $0xFFFFFFFF  }
0xaa: {  	[dreg:$0x0] =	wrdreg $0x60  }
0xab: {  	[dreg:$0x2] =	wrdreg s0  }
0xac: {  	[dreg:$0x3] =	wrdreg s22  }
0xad: {  	[dreg:$0x4] =	wrdreg $0x9  }
0xae: {  	_ =	task.clear_ibuf [dreg:s5], $0x5FFFF;
	_ =	strace $0x90000046  }
0xaf: {  	s26 =	simm.s32 $0x9;
	_ =	strace $0x80000048  }
0xb0: {  	_ =	swait.ge [sflag:s26], $0x1  }
0xb1: {  	[sflag:s26] =	ssyncadd.s32 $0xFFFFFFFF  }
0xb2: {  	_ =	strace $0x90000048  }
0xb3: {  	_ =	sfence  }
0xb4: {  	s28 =	sld [smem:$0x0];
	_ =	sdelay $0x1  }
0xb5: {  	s29 =	srdreg.scid  }
0xb6: {  	s30 =	sshll.u32 s29, $0xD;
	s31 =	sshrl.u32 s29, $0x2  }
0xb7: {  	s2 =	sand.u32 $0x4000, s30;
	s1 =	sand.u32 $0x1, s29;
	s0 =	sadd.s32 s31, s28  }
0xb8: {  	s1 =	sor.u32 s2, s1;
	s0 =	sshll.u32 s0, $0x11  }
0xb9: {  	s0 =	sor.u32 s0, s1  }
0xba: {  	s0 =	sadd.s32 $0x8F2B, s0  }
0xbb: {  	[sflag:s0] =	ssyncadd.remote.s32 $0x1  }
0xbc: {  	_ =	sfence.sel $0xFFFF  }
0xbd: {  	[dreg:$0x0] =	wrdreg $0xFFFFFFFF;
	(pc) =	sbr.abs _section_cstart, $3  }
0xbe: {  	[dreg:$0x1] =	wrdreg $0xFFFFFFFF  }
0xbf: {  	_ =	task.clear_ibuf [dreg:s5], $0x2FFFF;
	_ =	strace $0x9FFFFFFF  }
0xc0: {  	(tm) =	ssettm $0x7FFFFFFF  }
0xc1: {  	_ =	shalt  }
tec
execute0_lowered:
.L_overlay_start_1:
0x0: {  	(tag) =	ssettag $0x1  }
0x1: {  	s2 =	rddreg [dreg:$0x0]  }
0x2: {  	s3 =	rddreg [dreg:$0x1]  }
0x3: {  	s0 =	rddreg [dreg:$0x2];
	s4 =	simm.s32 $0x0;
	s1 =	stileid.u32  }
0x4: {  	[smem:$0x7FF] =	sst s4;
	s5 =	sshll.u32 s1, $0x7  }
0x5: {  	s30 =	simm.s32 $0x1;
	_ =	strace $0x80000047;
	s2 =	sadd.s32 s2, s5  }
0x6: {  	[tilespmem:s4], [sflag:$0x1] =	stream.linear.gather [hbm4b:s2+s4], $0x400, $0x38;
	[tilespmem:$0xC00] =	vst v63  }
0x7: {  	_ =	swait.ge [sflag:s30], $0x400  }
0x8: {  	[sflag:s30] =	ssyncset.done $0x0  }
0x9: {  	s31 =	simm.s32 $0x0;
	[sflag:s30] =	ssyncadd.s32 $0xFFFFFC00  }
0xa: {  	v2 =	vld [tilespmem:s31+$0x0];
	_ =	sdelay $0x1  }
0xb: {  	v0 =	vimm.s32 $0x0  }
0xc: {  	v3 =	vimm.s32 $0x0;
	v4 =	vimm.s32 $0x0;
	v5 =	vimm.s32 $0x0  }
0xd: {  	v6 =	vimm.s32 $0x0;
	v7 =	vimm.s32 $0x0;
	v8 =	vimm.s32 $0x0  }
0xe: {  	v9 =	vimm.s32 $0x0;
	v10 =	vimm.s32 $0x0;
	vm6 =	veq.s32 v2, $0x0  }
0xf: {  	vm7 =	veq.s32 v2, $0x1;
	vm1 =	veq.s32 v2, $0x9;
	vm8 =	veq.s32 v2, $0x2  }
0x10: {  	vm0 =	veq.s32 v2, $0x3;
	vm2 =	veq.s32 v2, $0x5;
	vm3 =	veq.s32 v2, $0x6  }
0x11: {  	vm4 =	veq.s32 v2, $0x7;
	vm5 =	veq.s32 v2, $0x8;
	v1 =	vsel vm1, $0x1, v0  }
0x12: {  	vm1 =	veq.s32 v2, $0x4;
	v11 =	vsel vm6, $0x1, v0;
	v12 =	vsel vm7, $0x1, v0  }
0x13: {  	s2 =	sadd.s32 $0x800, s3;
	s4 =	simm.s32 $0x10;
	s3 =	simm.s32 $0x80;
	v13 =	vsel vm8, $0x1, v0;
	v2 =	vimm.s32 $0x0;
	v1 =	vadd.s32 v1, v0  }
.LBB2_1:
0x14: {  	p0 =	sne.s32 s3, $0xFC0;
	v14 =	vld [tilespmem:s4+$0x0];
	v15 =	vsel vm0, $0x1, v0;
	v16 =	vsel vm1, $0x1, v0;
	v17 =	vsel vm2, $0x1, v0  }
0x15: {  	v18 =	vsel vm3, $0x1, v0;
	v19 =	vsel vm4, $0x1, v0;
	v20 =	vsel vm5, $0x1, v0  }
0x16: {  	v2 =	vadd.s32 v11, v2;
	v3 =	vadd.s32 v12, v3;
	v4 =	vadd.s32 v13, v4  }
0x17: {  	v5 =	vadd.s32 v15, v5;
	v6 =	vadd.s32 v16, v6;
	v7 =	vadd.s32 v17, v7  }
0x18: {  	v8 =	vadd.s32 v18, v8;
	v9 =	vadd.s32 v19, v9;
	v10 =	vadd.s32 v20, v10  }
.Ltmp0:
0x19: {  	vm6 =	veq.s32 v14, $0x0;
	vm7 =	veq.s32 v14, $0x1;
	vm1 =	veq.s32 v14, $0x9;
	(pc) =	sbr.rel @p0 .LBB2_1-.Ltmp0, $4  }
0x1a: {  	vm8 =	veq.s32 v14, $0x2;
	vm0 =	veq.s32 v14, $0x3;
	v11 =	vsel vm1, $0x1, v0  }
0x1b: {  	vm2 =	veq.s32 v14, $0x5;
	vm1 =	veq.s32 v14, $0x4;
	v1 =	vadd.s32 v11, v1  }
0x1c: {  	vm3 =	veq.s32 v14, $0x6;
	vm4 =	veq.s32 v14, $0x7;
	vm5 =	veq.s32 v14, $0x8  }
0x1d: {  	s4 =	sshra.s32 s3, $0x2;
	s3 =	sadd.s32 $0x40, s3;
	v12 =	vsel vm7, $0x1, v0;
	v13 =	vsel vm8, $0x1, v0;
	v11 =	vsel vm6, $0x1, v0  }
0x1e: {  	v14 =	vld [tilespmem:s4+$0x0]  }
0x1f: {  	v15 =	vsel vm0, $0x1, v0  }
0x20: {  	v16 =	vsel vm1, $0x1, v0;
	v17 =	vsel vm2, $0x1, v0;
	v18 =	vsel vm3, $0x1, v0  }
0x21: {  	v19 =	vsel vm4, $0x1, v0;
	v20 =	vsel vm5, $0x1, v0;
	v2 =	vadd.s32 v11, v2  }
0x22: {  	v3 =	vadd.s32 v12, v3;
	v4 =	vadd.s32 v13, v4;
	v5 =	vadd.s32 v15, v5  }
0x23: {  	v6 =	vadd.s32 v16, v6;
	v7 =	vadd.s32 v17, v7;
	vm15 =	veq.s32 v14, $0x0  }
0x24: {  	vm2 =	veq.s32 v14, $0x1;
	vm0 =	veq.s32 v14, $0x9;
	vm12 =	veq.s32 v14, $0x2  }
0x25: {  	vm13 =	veq.s32 v14, $0x3;
	vm14 =	veq.s32 v14, $0x4;
	vm6 =	veq.s32 v14, $0x5  }
0x26: {  	vm7 =	veq.s32 v14, $0x6;
	vm8 =	veq.s32 v14, $0x7;
	v47 =	vsel vm15, $0x1, v0  }
0x27: {  	vm15 =	veq.s32 v14, $0x8;
	v48 =	vsel vm2, $0x1, v0;
	v49 =	vsel vm12, $0x1, v0  }
0x28: {  	v50 =	vsel vm13, $0x1, v0;
	v51 =	vsel vm14, $0x1, v0;
	v2 =	vadd.s32 v47, v2  }
0x29: {  	v53 =	vsel vm6, $0x1, v0;
	v3 =	vadd.s32 v48, v3;
	v2 =	vcvt.s32.f32 v2  }
0x2a: {  	v55 =	vsel vm7, $0x1, v0;
	v4 =	vadd.s32 v49, v4;
	v3 =	vcvt.s32.f32 v3  }
0x2b: {  	v57 =	vsel vm8, $0x1, v0;
	v5 =	vadd.s32 v50, v5;
	v52 =	vcvt.s32.f32 v4;
	[tilespmem:$0x400] =	vst v2  }
0x2c: {  	v61 =	vsel vm0, $0x1, v0;
	v6 =	vadd.s32 v51, v6;
	v54 =	vcvt.s32.f32 v5;
	[tilespmem:$0x480] =	vst v3  }
0x2d: {  	v59 =	vsel vm15, $0x1, v0;
	v0 =	vadd.s32 v61, v1;
	v56 =	vcvt.s32.f32 v6;
	[tilespmem:$0x500] =	vst v52  }
0x2e: {  	v8 =	vadd.s32 v18, v8;
	v4 =	vadd.s32 v53, v7;
	v0 =	vcvt.s32.f32 v0;
	[tilespmem:$0x580] =	vst v54  }
0x2f: {  	v9 =	vadd.s32 v19, v9;
	v5 =	vadd.s32 v55, v8;
	v58 =	vcvt.s32.f32 v4;
	[tilespmem:$0x600] =	vst v56  }
0x30: {  	v10 =	vadd.s32 v20, v10;
	v6 =	vadd.s32 v57, v9;
	v60 =	vcvt.s32.f32 v5;
	[tilespmem:$0x880] =	vst v0  }
0x31: {  	v4 =	vadd.s32 v59, v10;
	v62 =	vcvt.s32.f32 v6;
	[tilespmem:$0x680] =	vst v58  }
0x32: {  	v63 =	vcvt.s32.f32 v4;
	[tilespmem:$0x700] =	vst v60  }
0x33: {  	s3 =	sshll.u32 s1, $0x8;
	s29 =	simm.s32 $0x0;
	[tilespmem:$0x780] =	vst v62  }
0x34: {  	s30 =	simm.s32 $0x400;
	s31 =	simm.s32 $0x1;
	s2 =	sadd.s32 s2, s3;
	[tilespmem:$0x800] =	vst v63  }
0x35: {  	[hbm4b:s2+s29] =	stream.linear.scatter [tilespmem:s30], [sflag:$0x1], $0x500, $0x38;
	[tilespmem:$0xC00] =	vst v63  }
0x36: {  	_ =	swait.ge [sflag:s31], $0x500  }
0x37: {  	[sflag:s31] =	ssyncset.done $0x0  }
0x38: {  	[sflag:s31] =	ssyncadd.s32 $0xFFFFFB00  }
0x39: {  	_ =	sfence.sel $0x180000  }
0x3a: {  	[bflag:$0x0] =	sbarrier.arrive $0xFFFF  }
0x3b: {  	p0 =	sne.s32 s1, $0x0;
	_ =	strace $0x90000047  }
0x3c: {  	s0 =	sadd.s32 @!p0 $0x100000, s0;
	[bflag:$0x2] =	sbarrier.arrive $0xFFFF  }
0x3d: {  	[sflag:s0] =	ssyncadd.tile.s32 @!p0 $0x1;
	_ =	shalt  }
.Lfunc_end2:
_tile_overlayer_lowered:
.L_overlay_start_2:
0x3e: {  	(tag) =	ssettag $0x2  }
0x3f: {  	s0 =	rddreg [dreg:$0x0];
	s2 =	stileid.u32  }
0x40: {  	s1 =	rddreg [dreg:$0x1];
	p0 =	sne.s32 s2, $0x0  }
0x41: {  	s3 =	rddreg [dreg:$0x2];
	[bflag:$0x3] =	sbarrier.arrive $0xFFFF;
	s2 =	simm.s32 @!p0 $0x1C01  }
0x42: {  	[timem:s3], [sflag:s2] =	dma.local @!p0 [hbm:s0], s1  }
0x43: {  	s0 =	simm.s32 @!p0 $0x1  }
0x44: {  	_ =	swait.ge @!p0 [sflag:s0], s1  }
0x45: {  	s1 =	ssub.s32 @!p0 $0x0, s1;
	[sflag:s0] =	ssyncset.done @!p0 $0x0  }
0x46: {  	[sflag:s0] =	ssyncadd.s32 @!p0 s1  }
0x47: {  	[bflag:$0x3] =	sbarrier.arrive $0xFFFF  }
0x48: {  	_ =	shalt  }

</sc_bundles>
